<compile_context>
chip_gen: v7x
topology: tpu7x:2x2x1
jax: 0.10.2.dev20260603
libtpu: 0.0.44.dev20260713+nightly
codegen_flags: <defaults>
</compile_context>

<pallas_src>
import functools

import jax
import jax.numpy as jnp
from jax import lax
from jax.experimental import pallas as pl
from jax.experimental.pallas import tpu as pltpu
from jax.experimental.pallas import tpu_sc as plsc

_BLK = 10000


def _scan_body(zf_ref, blk_ref, out_ref, bestv_ref, besti_ref):
    i = pl.program_id(0)
    nb = pl.num_programs(0)

    @pl.when(i == 0)
    def _init():
        bestv_ref[...] = jnp.full(bestv_ref.shape, jnp.inf, jnp.float32)
        besti_ref[...] = jnp.zeros(besti_ref.shape, jnp.int32)

    blk = blk_ref[...]
    zf = zf_ref[...]
    prod = lax.dot_general(
        blk, zf, (((1,), (1,)), ((), ())),
        preferred_element_type=jnp.float32)
    ksq = jnp.sum(blk * blk, axis=1, keepdims=True)
    metric = ksq - 2.0 * prod

    minv = jnp.min(metric, axis=0)
    rows = lax.broadcasted_iota(jnp.int32, metric.shape, 0) + i * _BLK
    cand = jnp.where(metric == minv[None, :], rows, jnp.int32(2**31 - 1))
    mini = jnp.min(cand, axis=0)

    prevv = bestv_ref[0, :]
    previ = besti_ref[0, :]
    upd = minv < prevv
    newv = jnp.where(upd, minv, prevv)
    newi = jnp.where(upd, mini, previ)
    bestv_ref[0, :] = newv
    besti_ref[0, :] = newi

    @pl.when(i == nb - 1)
    def _fin():
        out_ref[...] = jnp.broadcast_to(newi[None, :], out_ref.shape)


def _argmin_tc(zf, all_z):
    n = all_z.shape[0]
    grid = n // _BLK
    out = pl.pallas_call(
        _scan_body,
        grid=(grid,),
        in_specs=[
            pl.BlockSpec((32, 16), lambda i: (0, 0)),
            pl.BlockSpec((_BLK, 16), lambda i: (i, 0)),
        ],
        out_specs=pl.BlockSpec((8, 32), lambda i: (0, 0)),
        out_shape=jax.ShapeDtypeStruct((8, 32), jnp.int32),
        scratch_shapes=[
            pltpu.VMEM((8, 32), jnp.float32),
            pltpu.VMEM((8, 32), jnp.int32),
        ],
    )(zf, all_z)
    return out[0]


def _gather_sc(all_z, idx):
    mesh = plsc.VectorSubcoreMesh(core_axis_name="c", subcore_axis_name="s")

    @functools.partial(
        pl.kernel,
        mesh=mesh,
        out_type=jax.ShapeDtypeStruct((32, 16), jnp.float32),
        compiler_params=pltpu.CompilerParams(use_tc_tiling_on_sc=False),
        scratch_types=[
            pltpu.VMEM((8,), jnp.int32),
            pltpu.VMEM((8, 16), jnp.float32),
            pltpu.SemaphoreType.DMA,
        ],
    )
    def k(table_hbm, idx_hbm, out_hbm, idx_v, rows_v, sem):
        wid = lax.axis_index("s") * 2 + lax.axis_index("c")

        @pl.when(wid < 4)
        def _():
            base = wid * 8
            pltpu.sync_copy(idx_hbm.at[pl.ds(base, 8)], idx_v)
            pltpu.async_copy(table_hbm.at[idx_v], rows_v, sem).wait()
            pltpu.sync_copy(rows_v, out_hbm.at[pl.ds(base, 8)])

    return k(all_z, idx)


def kernel(z, all_z):
    b, l, d = z.shape
    zf = jnp.reshape(z, (-1, d))
    idx = _argmin_tc(zf, all_z)
    nearest = _gather_sc(all_z, idx)
    return jnp.reshape(nearest, (b, l, d))

# --- scband reference (transcript-rebuilt; emitter-appended) ---
"""Pipeline reference for scband-nearest-token-look-up-31147102831265 (READ-ONLY COPY).

The authoritative reference and input builder live on the scoring server;
editing this copy changes nothing except your own understanding.
"""

import jax, jax.numpy as jnp
import numpy as np


def setup_inputs(seed: int = 0) -> dict:
    key = jax.random.key(seed)
    k1, k2 = jax.random.split(key)
    z = jax.random.normal(k1, (8, 4, 16), dtype=jnp.float32)
    all_z = jax.random.normal(k2, (1000000, 16), dtype=jnp.float32)
    return {"z": z, "all_z": all_z}


def reference(z, all_z):
    # Faithful jax translation of NearestTokenLookUp.get_nearest_z:
    # flatten (b, l, d) -> (b*l, d), find 1-NN (Euclidean) in the precomputed
    # vocabulary code table all_z, gather nearest codes, reshape back.
    b, l, d = z.shape
    zf = jnp.reshape(z, (-1, d))
    # squared euclidean distances: |z|^2 - 2 z.k + |k|^2
    z_sq = jnp.sum(zf * zf, axis=1, keepdims=True)          # [Q, 1]
    k_sq = jnp.sum(all_z * all_z, axis=1)                   # [K]
    d2 = z_sq - 2.0 * (zf @ all_z.T) + k_sq[None, :]        # [Q, K]
    idx = jnp.argmin(d2, axis=1)                            # 1-NN (n_neighbors=1)
    nearest = jnp.take(all_z, idx, axis=0)                  # gather nearest codes
    nearest_z = jnp.reshape(nearest, (b, l, d))
    return nearest_z

if __name__ == "__main__":
    import jax
    _d = setup_inputs()
    print(jax.jit(kernel)(*tuple(_d.values())))

</pallas_src>

<mosaic_0001>
#map = affine_map<(d0, d1) -> (0, 0)>
#map1 = affine_map<(d0, d1) -> (0)>
module attributes {stable_mosaic.version = 14 : i64} {
  func.func @k(%arg0: i32, %arg1: i32, %arg2: memref<1000000x16xf32, #tpu.memory_space<hbm>>, %arg3: memref<32xi32, #tpu.memory_space<hbm>>, %arg4: memref<32x16xf32, #tpu.memory_space<hbm>>, %arg5: memref<8xi32, #tpu.memory_space<vmem>>, %arg6: memref<8x16xf32, #tpu.memory_space<vmem>>, %arg7: memref<!tpu.dma_semaphore, #tpu.memory_space<semaphore_mem>>) attributes {dimension_semantics = [#tpu.dimension_semantics<core_parallel>, #tpu.dimension_semantics<subcore_parallel>], iteration_bounds = array<i64: 2, 16>, scalar_prefetch = 0 : i64, scratch_operands = 3 : i64, tpu.core_type = #tpu.core_type<sc_vector_subcore>, window_params = [{transform_indices = #map}, {transform_indices = #map1}, {transform_indices = #map}]} {
    %mul3A = arith.constant 2 : i32
    %mul3A_0 = arith.muli %arg1, %mul3A : i32
    %add3A = arith.addi %mul3A_0, %arg0 : i32
    %lt3A = arith.constant 4 : i32
    %lt3A_1 = arith.cmpi slt, %add3A, %lt3A : i32
    %convert_element_type3A = arith.extui %lt3A_1 : i1 to i32
    %cond3A = arith.constant 0 : i32
    %cond3A_2 = arith.cmpi ne, %convert_element_type3A, %cond3A : i32
    scf.if %cond3A_2 {
      %mul3A_3 = arith.constant 8 : i32
      %mul3A_4 = arith.muli %add3A, %mul3A_3 : i32
      "tpu.region"() ({
        %run_scoped3A = tpu.sem_alloc : memref<!tpu.dma_semaphore, #tpu.memory_space<semaphore_mem>>
        %dma_start3A_9 = tpu.memref_slice %arg3[%mul3A_4] : memref<32xi32, #tpu.memory_space<hbm>> -> memref<8xi32, #tpu.memory_space<hbm>>
        %dma_start3A_10 = tpu.memref_slice %arg3[%mul3A_4] : memref<32xi32, #tpu.memory_space<hbm>> -> memref<8xi32, #tpu.memory_space<hbm>>
        tpu.enqueue_dma source(%dma_start3A_10 : memref<8xi32, #tpu.memory_space<hbm>>) target(%arg5 : memref<8xi32, #tpu.memory_space<vmem>>) target_semaphore(%run_scoped3A : memref<!tpu.dma_semaphore, #tpu.memory_space<semaphore_mem>>)
        %dma_wait3A_11 = tpu.memref_slice %arg3[%mul3A_4] : memref<32xi32, #tpu.memory_space<hbm>> -> memref<8xi32, #tpu.memory_space<hbm>>
        %dma_wait3A_12 = tpu.memref_slice %arg3[%mul3A_4] : memref<32xi32, #tpu.memory_space<hbm>> -> memref<8xi32, #tpu.memory_space<hbm>>
        tpu.wait_dma2 semaphore(%run_scoped3A : memref<!tpu.dma_semaphore, #tpu.memory_space<semaphore_mem>>) src(%dma_wait3A_12 : memref<8xi32, #tpu.memory_space<hbm>>) dst(%arg5 : memref<8xi32, #tpu.memory_space<vmem>>)
        tpu.yield
      }) : () -> ()
      %dma_start3A = arith.constant 0 : i32
      %dma_start3A_5 = arith.constant 0 : i32
      %dma_start3A_6 = tpu.memref_slice %arg2[%dma_start3A, %dma_start3A_5] : memref<1000000x16xf32, #tpu.memory_space<hbm>> -> memref<1000000x16xf32, #tpu.memory_space<hbm>>
      tpu.enqueue_indirect_dma source(%dma_start3A_6 : memref<1000000x16xf32, #tpu.memory_space<hbm>>) target(%arg6 : memref<8x16xf32, #tpu.memory_space<vmem>>) offsets(%arg5 : memref<8xi32, #tpu.memory_space<vmem>>) semaphore(%arg7 : memref<!tpu.dma_semaphore, #tpu.memory_space<semaphore_mem>>)
      %dma_wait3A = arith.constant 0 : i32
      %dma_wait3A_7 = arith.constant 0 : i32
      %dma_wait3A_8 = tpu.memref_slice %arg2[%dma_wait3A, %dma_wait3A_7] : memref<1000000x16xf32, #tpu.memory_space<hbm>> -> memref<1000000x16xf32, #tpu.memory_space<hbm>>
      tpu.wait_indirect_dma semaphore(%arg7 : memref<!tpu.dma_semaphore, #tpu.memory_space<semaphore_mem>>) src(%dma_wait3A_8 : memref<1000000x16xf32, #tpu.memory_space<hbm>>) dst(%arg6 : memref<8x16xf32, #tpu.memory_space<vmem>>)
      "tpu.region"() ({
        %run_scoped3A = tpu.sem_alloc : memref<!tpu.dma_semaphore, #tpu.memory_space<semaphore_mem>>
        %dma_start3A_9 = arith.constant 0 : i32
        %dma_start3A_10 = tpu.memref_slice %arg4[%mul3A_4, %dma_start3A_9] : memref<32x16xf32, #tpu.memory_space<hbm>> -> memref<8x16xf32, #tpu.memory_space<hbm>>
        %dma_start3A_11 = arith.constant 0 : i32
        %dma_start3A_12 = tpu.memref_slice %arg4[%mul3A_4, %dma_start3A_11] : memref<32x16xf32, #tpu.memory_space<hbm>> -> memref<8x16xf32, #tpu.memory_space<hbm>>
        tpu.enqueue_dma source(%arg6 : memref<8x16xf32, #tpu.memory_space<vmem>>) target(%dma_start3A_12 : memref<8x16xf32, #tpu.memory_space<hbm>>) target_semaphore(%run_scoped3A : memref<!tpu.dma_semaphore, #tpu.memory_space<semaphore_mem>>)
        %dma_wait3A_13 = arith.constant 0 : i32
        %dma_wait3A_14 = tpu.memref_slice %arg4[%mul3A_4, %dma_wait3A_13] : memref<32x16xf32, #tpu.memory_space<hbm>> -> memref<8x16xf32, #tpu.memory_space<hbm>>
        %dma_wait3A_15 = arith.constant 0 : i32
        %dma_wait3A_16 = tpu.memref_slice %arg4[%mul3A_4, %dma_wait3A_15] : memref<32x16xf32, #tpu.memory_space<hbm>> -> memref<8x16xf32, #tpu.memory_space<hbm>>
        tpu.wait_dma2 semaphore(%run_scoped3A : memref<!tpu.dma_semaphore, #tpu.memory_space<semaphore_mem>>) src(%arg6 : memref<8x16xf32, #tpu.memory_space<vmem>>) dst(%dma_wait3A_16 : memref<8x16xf32, #tpu.memory_space<hbm>>)
        tpu.yield
      }) : () -> ()
    } else {
    }
    return
  }
}

module attributes {stable_mosaic.version = 14 : i64} {
  func.func @_scan_body(%arg0: i32, %arg1: memref<32x16xf32, #tpu.memory_space<vmem>>, %arg2: memref<10000x16xf32, #tpu.memory_space<vmem>>, %arg3: memref<8x32xi32, #tpu.memory_space<vmem>>, %arg4: memref<8x32xf32, #tpu.memory_space<vmem>>, %arg5: memref<8x32xi32, #tpu.memory_space<vmem>>) attributes {dimension_semantics = [#tpu.dimension_semantics<arbitrary>], iteration_bounds = array<i64: 100>, scalar_prefetch = 0 : i64, scratch_operands = 2 : i64, tpu.core_type = #tpu.core_type<tc>, window_params = [{pipeline_mode = #tpu.pipeline_mode<synchronous>, transform_indices = @transform_0, window_bounds = array<i64: 32, 16>}, {transform_indices = @transform_1, window_bounds = array<i64: 10000, 16>}, {pipeline_mode = #tpu.pipeline_mode<synchronous>, transform_indices = @transform_2, window_bounds = array<i64: 8, 32>}]} {
    %eq3A = arith.constant 0 : i32
    %eq3A_0 = arith.cmpi eq, %arg0, %eq3A : i32
    %convert_element_type3A = arith.extui %eq3A_0 : i1 to i32
    %cond3A = arith.constant 0 : i32
    %cond3A_1 = arith.cmpi ne, %convert_element_type3A, %cond3A : i32
    scf.if %cond3A_1 {
      %broadcast_in_dim3A_47 = arith.constant 0x7F800000 : f32
      %broadcast_in_dim3A_48 = vector.broadcast %broadcast_in_dim3A_47 : f32 to vector<8x32xf32>
      %swap3A_49 = arith.constant 0 : index
      %swap3A_50 = arith.constant 0 : index
      %swap3A_51 = vector.load %arg4[%swap3A_49, %swap3A_50] : memref<8x32xf32, #tpu.memory_space<vmem>>, vector<8x32xf32>
      tpu.vector_store %arg4[%swap3A_49, %swap3A_50], %broadcast_in_dim3A_48 {strides = array<i32>} : memref<8x32xf32, #tpu.memory_space<vmem>>, vector<8x32xf32>,
      %broadcast_in_dim3A_52 = arith.constant 0 : i32
      %broadcast_in_dim3A_53 = vector.broadcast %broadcast_in_dim3A_52 : i32 to vector<8x32xi32>
      %swap3A_54 = arith.constant 0 : index
      %swap3A_55 = arith.constant 0 : index
      %swap3A_56 = vector.load %arg5[%swap3A_54, %swap3A_55] : memref<8x32xi32, #tpu.memory_space<vmem>>, vector<8x32xi32>
      tpu.vector_store %arg5[%swap3A_54, %swap3A_55], %broadcast_in_dim3A_53 {strides = array<i32>} : memref<8x32xi32, #tpu.memory_space<vmem>>, vector<8x32xi32>,
    } else {
    }
    %get3A = arith.constant 0 : index
    %get3A_2 = arith.constant 0 : index
    %get3A_3 = vector.load %arg2[%get3A, %get3A_2] : memref<10000x16xf32, #tpu.memory_space<vmem>>, vector<10000x16xf32>
    %get3A_4 = arith.constant 0 : index
    %get3A_5 = arith.constant 0 : index
    %get3A_6 = vector.load %arg1[%get3A_4, %get3A_5] : memref<32x16xf32, #tpu.memory_space<vmem>>, vector<32x16xf32>
    %dot_general3A = arith.constant dense<0.000000e+00> : vector<10000x32xf32>
    %dot_general3A_7 = tpu.matmul %get3A_3, %get3A_6, %dot_general3A {dimension_numbers = #tpu.dot_dimension_numbers<[1], [1], [0], [0], [0, 0, 1, 0], [], []>, transpose_lhs_hint = false} : vector<10000x16xf32>, vector<32x16xf32>, vector<10000x32xf32> -> vector<10000x32xf32>
    %mul3A = arith.mulf %get3A_3, %get3A_3 : vector<10000x16xf32>
    %reduce_sum3A = arith.constant dense<0.000000e+00> : vector<10000xf32>
    %reduce_sum3A_8 = vector.multi_reduction <add>, %mul3A, %reduce_sum3A [1] : vector<10000x16xf32> to vector<10000xf32>
    %broadcast_in_dim3A = vector.shape_cast %reduce_sum3A_8 : vector<10000xf32> to vector<10000x1xf32>
    %mul3A_9 = arith.constant 2.000000e+00 : f32
    %mul3A_10 = vector.broadcast %mul3A_9 : f32 to vector<10000x32xf32>
    %mul3A_11 = arith.mulf %mul3A_10, %dot_general3A_7 : vector<10000x32xf32>
    %sub3A = vector.broadcast %broadcast_in_dim3A : vector<10000x1xf32> to vector<10000x32xf32>
    %sub3A_12 = arith.subf %sub3A, %mul3A_11 : vector<10000x32xf32>
    %reduce_min3A = arith.constant dense<0x7F800000> : vector<32xf32>
    %reduce_min3A_13 = vector.multi_reduction <minimumf>, %sub3A_12, %reduce_min3A [0] : vector<10000x32xf32> to vector<32xf32>
    %iota3A = tpu.iota {dimensions = array<i32: 0>} : vector<10000x32xi32>
    %mul3A_14 = arith.constant 10000 : i32
    %mul3A_15 = arith.muli %arg0, %mul3A_14 : i32
    %add3A = vector.broadcast %mul3A_15 : i32 to vector<10000x32xi32>
    %add3A_16 = arith.addi %iota3A, %add3A : vector<10000x32xi32>
    %broadcast_in_dim3A_17 = vector.shape_cast %reduce_min3A_13 : vector<32xf32> to vector<1x32xf32>
    %eq3A_18 = vector.broadcast %broadcast_in_dim3A_17 : vector<1x32xf32> to vector<10000x32xf32>
    %eq3A_19 = arith.cmpf oeq, %sub3A_12, %eq3A_18 : vector<10000x32xf32>
    %jit3A = arith.constant 2147483647 : i32
    %broadcast_in_dim3A_20 = vector.broadcast %jit3A : i32 to vector<10000x32xi32>
    %select_n3A = arith.select %eq3A_19, %add3A_16, %broadcast_in_dim3A_20 : vector<10000x32xi1>, vector<10000x32xi32>
    %reduce_min3A_21 = arith.constant dense<2147483647> : vector<32xi32>
    %reduce_min3A_22 = vector.multi_reduction <minsi>, %select_n3A, %reduce_min3A_21 [0] : vector<10000x32xi32> to vector<32xi32>
    %get3A_23 = arith.constant 0 : index
    %get3A_24 = arith.constant 0 : index
    %get3A_25 = vector.load %arg4[%get3A_23, %get3A_24] : memref<8x32xf32, #tpu.memory_space<vmem>>, vector<1x32xf32>
    %get3A_26 = vector.shape_cast %get3A_25 : vector<1x32xf32> to vector<32xf32>
    %get3A_27 = arith.constant 0 : index
    %get3A_28 = arith.constant 0 : index
    %get3A_29 = vector.load %arg5[%get3A_27, %get3A_28] : memref<8x32xi32, #tpu.memory_space<vmem>>, vector<1x32xi32>
    %get3A_30 = vector.shape_cast %get3A_29 : vector<1x32xi32> to vector<32xi32>
    %lt3A = arith.cmpf olt, %reduce_min3A_13, %get3A_26 : vector<32xf32>
    %select_n3A_31 = arith.select %lt3A, %reduce_min3A_13, %get3A_26 : vector<32xi1>, vector<32xf32>
    %select_n3A_32 = arith.select %lt3A, %reduce_min3A_22, %get3A_30 : vector<32xi1>, vector<32xi32>
    %swap3A = arith.constant 0 : index
    %swap3A_33 = arith.constant 0 : index
    %swap3A_34 = vector.load %arg4[%swap3A, %swap3A_33] : memref<8x32xf32, #tpu.memory_space<vmem>>, vector<1x32xf32>
    %swap3A_35 = vector.shape_cast %swap3A_34 : vector<1x32xf32> to vector<32xf32>
    %swap3A_36 = vector.shape_cast %select_n3A_31 : vector<32xf32> to vector<1x32xf32>
    tpu.vector_store %arg4[%swap3A, %swap3A_33], %swap3A_36 {strides = array<i32>} : memref<8x32xf32, #tpu.memory_space<vmem>>, vector<1x32xf32>,
    %swap3A_37 = arith.constant 0 : index
    %swap3A_38 = arith.constant 0 : index
    %swap3A_39 = vector.load %arg5[%swap3A_37, %swap3A_38] : memref<8x32xi32, #tpu.memory_space<vmem>>, vector<1x32xi32>
    %swap3A_40 = vector.shape_cast %swap3A_39 : vector<1x32xi32> to vector<32xi32>
    %swap3A_41 = vector.shape_cast %select_n3A_32 : vector<32xi32> to vector<1x32xi32>
    tpu.vector_store %arg5[%swap3A_37, %swap3A_38], %swap3A_41 {strides = array<i32>} : memref<8x32xi32, #tpu.memory_space<vmem>>, vector<1x32xi32>,
    %eq3A_42 = arith.constant 99 : i32
    %eq3A_43 = arith.cmpi eq, %arg0, %eq3A_42 : i32
    %convert_element_type3A_44 = arith.extui %eq3A_43 : i1 to i32
    %cond3A_45 = arith.constant 0 : i32
    %cond3A_46 = arith.cmpi ne, %convert_element_type3A_44, %cond3A_45 : i32
    scf.if %cond3A_46 {
      %broadcast_in_dim3A_47 = vector.shape_cast %select_n3A_32 : vector<32xi32> to vector<1x32xi32>
      %broadcast_in_dim3A_48 = vector.shape_cast %broadcast_in_dim3A_47 : vector<1x32xi32> to vector<1x32xi32>
      %broadcast_in_dim3A_49 = vector.broadcast %broadcast_in_dim3A_48 : vector<1x32xi32> to vector<8x32xi32>
      %swap3A_50 = arith.constant 0 : index
      %swap3A_51 = arith.constant 0 : index
      %swap3A_52 = vector.load %arg3[%swap3A_50, %swap3A_51] : memref<8x32xi32, #tpu.memory_space<vmem>>, vector<8x32xi32>
      tpu.vector_store %arg3[%swap3A_50, %swap3A_51], %broadcast_in_dim3A_49 {strides = array<i32>} : memref<8x32xi32, #tpu.memory_space<vmem>>, vector<8x32xi32>,
    } else {
    }
    return
  }
  func.func @transform_0(%arg0: i32) -> (i32, i32) {
    %c0_i32 = arith.constant 0 : i32
    %c0_i32_0 = arith.constant 0 : i32
    %c0_i32_1 = arith.constant 0 : i32
    return %c0_i32, %c0_i32_0 : i32, i32
  }
  func.func @transform_1(%arg0: i32) -> (i32, i32) {
    %c0_i32 = arith.constant 0 : i32
    %c0_i32_0 = arith.constant 0 : i32
    return %arg0, %c0_i32 : i32, i32
  }
  func.func @transform_2(%arg0: i32) -> (i32, i32) {
    %c0_i32 = arith.constant 0 : i32
    %c0_i32_0 = arith.constant 0 : i32
    %c0_i32_1 = arith.constant 0 : i32
    return %c0_i32, %c0_i32_0 : i32, i32
  }
}

</mosaic_0001>

<sc_bundles>
// kernel: kernel.4.cloned.1.call-start
scs
__scs_entry_jumppad:
0x0: {  	(pc) =	sbr.rel $0x88, $3  }
0x1: {  	(tag) =	ssettag $0x0;
	lr =	simm.s32 $0x1  }
0x2: {  	[smem:$0x3F9F] =	sst lr;
	_ =	strace $0xD0000000  }
0x3: {  	_ = 	snop  }
0x4: {  	_ = 	snop  }
0x5: {  	_ = 	snop  }
0x6: {  	_ = 	snop  }
0x7: {  	_ = 	snop  }
__scs_overlays_trampoline_lowered:
0x8: {  	[smem:$0x3FAE] =	sst s0  }
0x9: {  	[smem:$0x3FAF] =	sst s1  }
0xa: {  	[smem:$0x3FB0] =	sst s2  }
0xb: {  	[smem:$0x3FB1] =	sst s3  }
0xc: {  	[smem:$0x3FB2] =	sst s4  }
0xd: {  	[smem:$0x3FB3] =	sst s5  }
0xe: {  	[smem:$0x3FB4] =	sst s6  }
0xf: {  	[smem:$0x3FB5] =	sst s7  }
0x10: {  	[smem:$0x3FB6] =	sst s8  }
0x11: {  	[smem:$0x3FB7] =	sst s9;
	s0 =	simm.s32 @!p0 $0x0  }
0x12: {  	s1 =	sld [smem:$0x3F9D];
	s0 =	simm.s32 @p0 $0x1  }
0x13: {  	[smem:$0x3FB8] =	sst s0;
	s0 =	simm.s32 @!p1 $0x0  }
0x14: {  	s2 =	sld [smem:$0x3F9C];
	s0 =	simm.s32 @p1 $0x1  }
0x15: {  	[smem:$0x3FB9] =	sst s0;
	s0 =	simm.s32 @!p2 $0x0  }
0x16: {  	s3 =	sld [smem:$0x3FDB];
	s0 =	simm.s32 @p2 $0x1  }
0x17: {  	s4 =	simm.s32 $0x1BF5;
	[smem:$0x3FBB] =	sst s0  }
0x18: {  	s0 =	sld [smem:$0x3F9E];
	_ =	swait.ge [sflag:s4], $0x0  }
0x19: {  	s7 =	sld [smem:$0x3F9F]  }
0x1a: {  	s8 =	sadd.s32 $0xFFFFE003, lr  }
0x1b: {  	s9 =	sadd.s32 $0xFFFFFEF7, lr;
	s5 =	simm.s32 $0xFFFFFFFF;
	p2 =	slt.u32 s8, $0xFFFFF086  }
0x1c: {  	p1 =	slt.u32 s9, $0xF7A;
	s5 =	simm.s32 @!p2 $0x0  }
0x1d: {  	s5 =	simm.s32 @p1 $0x1;
	p0 =	seq.s32 s7, s2  }
0x1e: {  	s7 =	smul.u32 @!p0 $0xF7A, s2;
	p2 =	seq.s32 @!p0 s5, $0x0  }
0x1f: {  	s9 =	smul.u32 $0xF7A, s1;
	s8 =	simm.s32 @!p0 $0x1BF5;
	p2 =	por !p2, p0  }
0x20: {  	[sflag:s8] =	ssyncset.s32 @!p0 $0xFFFFF086;
	s6 =	sadd.s32 @!p0 s3, s7;
	s7 =	simm.s32 @!p0 $0x108  }
0x21: {  	s3 =	sadd.s32 s3, s9;
	s6 =	sadd.s32 @!p0 $0x88, s6;
	s7 =	simm.s32 @p2 $0x1082  }
0x22: {  	[simem:s7], [sflag:s8] =	dma.local @!p0 [hbm:s6], $0xF7A  }
0x23: {  	s9 =	sor.u32 $0xD0000000, s2;
	s6 =	simm.s32 $0x108;
	_ =	swait.ge @!p0 [sflag:s8], $0x0  }
0x24: {  	s3 =	sadd.s32 $0x88, s3;
	s6 =	simm.s32 @!p1 $0x1082;
	[sflag:s4] =	ssyncset.s32 $0xFFFFF086  }
0x25: {  	[simem:s6], [sflag:s4] =	dma.local [hbm:s3], $0xF7A  }
0x26: {  	[smem:$0x3F9F] =	sst s1;
	(tag) =	ssettag s2;
	_ =	strace s9  }
0x27: {  	s1 =	sld [smem:$0x3FAF]  }
0x28: {  	s2 =	sld [smem:$0x3FB0]  }
0x29: {  	s4 =	sld [smem:$0x3FB2]  }
0x2a: {  	p0 =	seq.s32 s5, $0x0;
	s5 =	sld [smem:$0x3FB3]  }
0x2b: {  	s6 =	sld [smem:$0x3FB4]  }
0x2c: {  	s7 =	sld [smem:$0x3FB5]  }
0x2d: {  	s3 =	simm.s32 $0x108;
	s8 =	sld [smem:$0x3FB6]  }
0x2e: {  	s3 =	simm.s32 @!p0 $0x1082;
	s9 =	sld [smem:$0x3FB7]  }
0x2f: {  	lr =	sadd.s32 s0, s3;
	s0 =	sld [smem:$0x3FAE]  }
0x30: {  	s3 =	sld [smem:$0x3FB1]  }
0x31: {  	[smem:$0x3FBA] =	sst s10  }
0x32: {  	s10 =	sld [smem:$0x3FB8];
	_ =	sdelay $0x3  }
0x33: {  	p0 =	seq.s32 s10, $0x1;
	s10 =	sld [smem:$0x3FBA];
	_ =	sdelay $0x3  }
0x34: {  	[smem:$0x3FBA] =	sst s10  }
0x35: {  	s10 =	sld [smem:$0x3FB9];
	_ =	sdelay $0x3  }
0x36: {  	p1 =	seq.s32 s10, $0x1;
	s10 =	sld [smem:$0x3FBA];
	_ =	sdelay $0x3  }
0x37: {  	[smem:$0x3FBA] =	sst s10  }
0x38: {  	s10 =	sld [smem:$0x3FBB]  }
0x39: {  	_ = 	snop;
	(pc) =	sbr.ind lr, $3  }
0x3a: {  	_ = 	snop  }
0x3b: {  	_ = 	snop  }
0x3c: {  	p2 =	seq.s32 s10, $0x1;
	s10 =	sld [smem:$0x3FBA]  }
0x3d: {  	_ =	shalt  }
0x3e: {  	_ =	shalt  }
0x3f: {  	_ =	shalt  }
0x40: {  	_ =	shalt  }
0x41: {  	_ =	shalt  }
0x42: {  	_ =	shalt  }
0x43: {  	_ =	shalt  }
0x44: {  	_ =	shalt  }
0x45: {  	_ =	shalt  }
0x46: {  	_ =	shalt  }
0x47: {  	_ =	shalt  }
0x48: {  	_ =	shalt  }
0x49: {  	_ =	shalt  }
0x4a: {  	_ =	shalt  }
0x4b: {  	_ =	shalt  }
0x4c: {  	_ =	shalt  }
0x4d: {  	_ =	shalt  }
0x4e: {  	_ =	shalt  }
0x4f: {  	_ =	shalt  }
0x50: {  	_ =	shalt  }
0x51: {  	_ =	shalt  }
0x52: {  	_ =	shalt  }
0x53: {  	_ =	shalt  }
0x54: {  	_ =	shalt  }
0x55: {  	_ =	shalt  }
0x56: {  	_ =	shalt  }
0x57: {  	_ =	shalt  }
0x58: {  	_ =	shalt  }
0x59: {  	_ =	shalt  }
0x5a: {  	_ =	shalt  }
0x5b: {  	_ =	shalt  }
0x5c: {  	_ =	shalt  }
0x5d: {  	_ =	shalt  }
0x5e: {  	_ =	shalt  }
0x5f: {  	_ =	shalt  }
0x60: {  	_ =	shalt  }
0x61: {  	_ =	shalt  }
0x62: {  	_ =	shalt  }
0x63: {  	_ =	shalt  }
0x64: {  	_ =	shalt  }
0x65: {  	_ =	shalt  }
0x66: {  	_ =	shalt  }
0x67: {  	_ =	shalt  }
0x68: {  	_ =	shalt  }
0x69: {  	_ =	shalt  }
0x6a: {  	_ =	shalt  }
0x6b: {  	_ =	shalt  }
0x6c: {  	_ =	shalt  }
0x6d: {  	_ =	shalt  }
0x6e: {  	_ =	shalt  }
0x6f: {  	_ =	shalt  }
0x70: {  	_ =	shalt  }
0x71: {  	_ =	shalt  }
0x72: {  	_ =	shalt  }
0x73: {  	_ =	shalt  }
0x74: {  	_ =	shalt  }
0x75: {  	_ =	shalt  }
0x76: {  	_ =	shalt  }
0x77: {  	_ =	shalt  }
0x78: {  	_ =	shalt  }
0x79: {  	_ =	shalt  }
0x7a: {  	_ =	shalt  }
0x7b: {  	_ =	shalt  }
0x7c: {  	_ =	shalt  }
0x7d: {  	_ =	shalt  }
0x7e: {  	_ =	shalt  }
0x7f: {  	_ =	shalt  }
0x80: {  	_ =	shalt  }
0x81: {  	_ =	shalt  }
0x82: {  	_ =	shalt  }
0x83: {  	_ =	shalt  }
0x84: {  	_ =	shalt  }
0x85: {  	_ =	shalt  }
0x86: {  	_ =	shalt  }
0x87: {  	_ =	shalt  }
.Lfunc_end0:
.L_simem_size_0:
called_computation_lowered:
.L_overlay_start_0:
0x88: {  	s2 =	sld [smem:$0x3FD9]  }
0x89: {  	s3 =	sld [smem:$0x3FFE];
	_ =	sdelay $0x1  }
0x8a: {  	s1 =	srdreg.scid  }
0x8b: {  	s0 =	sand.u32 $0x1, s1  }
0x8c: {  	s17 =	sshll.u32 s0, $0xA;
	s2 =	sadd.s32 s3, s2  }
0x8d: {  	s2 =	sadd.s32 s2, s17  }
0x8e: {  	[smem:$0x3FC6] =	sst s2  }
0x8f: {  	_ = 	snop  }
0x90: {  	s2 =	sld [smem:$0x3FD0];
	(tm) =	ssettm $0x1  }
0x91: {  	s18 =	sld [smem:$0x3FFB];
	_ =	sdelay $0x3  }
0x92: {  	_ =	strace s18  }
0x93: {  	s3 =	sld [smem:$0x3FFC];
	_ =	sdelay $0x3  }
0x94: {  	_ =	strace s3  }
0x95: {  	s3 =	sld [smem:$0x3FFD];
	_ =	sdelay $0x3  }
0x96: {  	_ =	strace s3  }
0x97: {  	_ =	strace $0x8FFFFFFF  }
0x98: {  	s19 =	sld [smem:$0x3FDB];
	_ =	sdelay $0x1  }
0x99: {  	s4 =	simm.s32 $_scs_section_size  }
0x9a: {  	s5 =	simm.s32 $_size__tile_overlayer_lowered;
	s6 =	simm.s32 $_tile_overlayer_lowered  }
0x9b: {  	s22 =	simm.s32 $0x1BFF;
	s21 =	sshll.u32 s6, $0x1;
	s3 =	sadd.s32 s4, s19  }
0x9c: {  	s7 =	simm.s32 $0x0;
	s20 =	sshll.u32 s5, $0x1;
	s5 =	sadd.s32 s21, s3  }
0x9d: {  	[timem:s7], [sflag:s22] =	dma.local [hbm:s5], s20  }
0x9e: {  	_ =	swait.ge [sflag:s22], s20  }
0x9f: {  	s4 =	ssub.s32 $0x0, s20;
	[sflag:s22] =	ssyncset.done $0x0  }
0xa0: {  	[sflag:s22] =	ssyncadd.s32 s4;
	_ =	sdelay $0x1  }
0xa1: {  	s23 =	simm.s32 $0x1B8B  }
0xa2: {  	_ =	swait.ge [sflag:s23], $0x1  }
0xa3: {  	[sflag:s23] =	ssyncset.done $0x0  }
0xa4: {  	s25 =	simm.s32 $0x1B8E;
	s24 =	sld [smem:$0x3FFE];
	[sflag:s23] =	ssyncadd.s32 $0xFFFFFFFF  }
0xa5: {  	s26 =	simm.s32 $execute0_lowered;
	[smem:$0x3FD2] =	sst s25  }
0xa6: {  	s5 =	sshll.u32 s26, $0x1;
	_ =	strace $0x80000046;
	[dreg:$0x1] =	wrdreg $0xFFFFFFFF  }
0xa7: {  	s28 =	simm.s32 $_size_execute0_lowered;
	s3 =	sadd.s32 s3, s5;
	[dreg:$0x0] =	wrdreg $0x0  }
0xa8: {  	s5 =	sshll.u32 s28, $0x1;
	[dreg:$0x2] =	wrdreg s3  }
0xa9: {  	[dreg:$0x3] =	wrdreg s5  }
0xaa: {  	[dreg:$0x4] =	wrdreg $0xC0  }
0xab: {  	_ =	task [dreg:s7], $0x5FFFF  }
0xac: {  	[dreg:$0x1] =	wrdreg $0xFFFFFFFF  }
0xad: {  	[dreg:$0x0] =	wrdreg $0x60  }
0xae: {  	[dreg:$0x2] =	wrdreg s24  }
0xaf: {  	[dreg:$0x3] =	wrdreg s2  }
0xb0: {  	[dreg:$0x4] =	wrdreg $0x9  }
0xb1: {  	_ =	task.clear_ibuf [dreg:s7], $0x5FFFF;
	_ =	strace $0x90000046  }
0xb2: {  	s29 =	simm.s32 $0x9;
	_ =	strace $0x80000048  }
0xb3: {  	_ =	swait.ge [sflag:s29], $0x1  }
0xb4: {  	[sflag:s29] =	ssyncadd.s32 $0xFFFFFFFF  }
0xb5: {  	_ =	strace $0x90000048  }
0xb6: {  	_ =	sfence  }
0xb7: {  	s30 =	sld [smem:$0x0];
	_ =	sdelay $0x2  }
0xb8: {  	s31 =	sshll.u32 s1, $0xD;
	s1 =	sshrl.u32 s1, $0x2  }
0xb9: {  	s3 =	sand.u32 $0x4000, s31;
	s1 =	sadd.s32 s1, s30  }
0xba: {  	s0 =	sor.u32 s3, s0;
	s1 =	sshll.u32 s1, $0x11  }
0xbb: {  	s0 =	sor.u32 s1, s0  }
0xbc: {  	s0 =	sadd.s32 $0x8F2B, s0  }
0xbd: {  	[sflag:s0] =	ssyncadd.remote.s32 $0x1  }
0xbe: {  	_ =	sfence.sel $0xFFFF  }
0xbf: {  	[dreg:$0x0] =	wrdreg $0xFFFFFFFF;
	(pc) =	sbr.abs _section_cstart, $3  }
0xc0: {  	[dreg:$0x1] =	wrdreg $0xFFFFFFFF  }
0xc1: {  	_ =	task.clear_ibuf [dreg:s7], $0x2FFFF;
	_ =	strace $0x9FFFFFFF  }
0xc2: {  	(tm) =	ssettm $0x7FFFFFFF  }
0xc3: {  	_ =	shalt  }
tec
execute0_lowered:
.L_overlay_start_1:
0x0: {  	(tag) =	ssettag $0x1  }
0x1: {  	s1 =	stileid.u32  }
0x2: {  	p0 =	sgt.u32 s1, $0x1  }
.Ltmp0:
0x3: {  	_ = 	snop;
	(pc) =	sbr.rel @p0 .LBB2_4-.Ltmp0, $4  }
0x4: {  	s8 =	rddreg [dreg:$0x0]  }
0x5: {  	s3 =	rddreg [dreg:$0x1];
	s2 =	simm.s32 $0x0  }
0x6: {  	[smem:$0x7FF] =	sst s2  }
0x7: {  	s0 =	rddreg [dreg:$0x2];
	_ =	strace $0x80000047  }
0x8: {  	s4 =	srdreg.scid  }
0x9: {  	s29 =	sshll.u32 s1, $0x1;
	s6 =	sand.u32 $0x1, s4  }
0xa: {  	s5 =	sadd.s32 $0xF42A00, s8;
	s7 =	simm.s32 $0x1;
	s9 =	sor.u32 s6, s29  }
0xb: {  	s10 =	ssub.s32 $0x2, s6;
	s4 =	sadd.s32 s3, s9;
	s3 =	simm.s32 $0x2  }
0xc: {  	[tilespmem:s2], [sflag:$0x2] =	stream.linear.gather [hbm4b:s4+s2], $0x8, $0x38;
	[tilespmem:$0x88] =	vst v63  }
0xd: {  	s6 =	simm.s32 $0x8;
	s11 =	sshrl.u32 s10, $0x1;
	_ =	swait.ge [sflag:s3], $0x8  }
0xe: {  	s9 =	sshll.u32 s9, $0x4;
	s31 =	ssub.s32 s10, s11;
	[sflag:s3] =	ssyncset.done $0x0  }
0xf: {  	s30 =	sadd.s32 s9, s8;
	s9 =	smax.u32 s31, $0x1;
	[sflag:s3] =	ssyncadd.s32 $0xFFFFFFF8  }
0x10: {  	[tilespmem:s6], [sflag:$0x1] =	stream.indirect.gather [hbm4b:s5+s6], $0x10, s2, s6, $0xb8;
	[tilespmem:$0x88] =	vst v63  }
0x11: {  	p0 =	sne.s32 s9, $0x1;
	_ =	swait.ge [sflag:s7], $0x80  }
.Ltmp1:
0x12: {  	[sflag:s7] =	ssyncset.done $0x0;
	(pc) =	sbr.rel @!p0 .LBB2_3-.Ltmp1, $4  }
0x13: {  	s8 =	sadd.s32 $0x600, s30;
	[sflag:s7] =	ssyncadd.s32 $0xFFFFFF80  }
0x14: {  	[hbm4b:s8+s2] =	stream.linear.scatter [tilespmem:s6], [sflag:$0x2], $0x80, $0x38;
	[tilespmem:$0x88] =	vst v63  }
0x15: {  	_ =	swait.ge [sflag:s3], $0x80  }
0x16: {  	s9 =	sadd.s32 $0xFFFFFFFF, s9;
	[sflag:s3] =	ssyncset.done $0x0  }
.LBB2_2:
0x17: {  	p0 =	sne.s32 s9, $0x1;
	s9 =	sadd.s32 $0xFFFFFFFF, s9;
	[sflag:s3] =	ssyncadd.s32 $0xFFFFFF80  }
0x18: {  	[tilespmem:s2], [sflag:$0x2] =	stream.linear.gather [hbm4b:s4+s2], $0x8, $0x38;
	[tilespmem:$0x88] =	vst v63  }
0x19: {  	_ =	swait.ge [sflag:s3], $0x8  }
0x1a: {  	[sflag:s3] =	ssyncset.done $0x0  }
0x1b: {  	[sflag:s3] =	ssyncadd.s32 $0xFFFFFFF8  }
0x1c: {  	[tilespmem:s6], [sflag:$0x1] =	stream.indirect.gather [hbm4b:s5+s6], $0x10, s2, s6, $0xb8;
	[tilespmem:$0x88] =	vst v63  }
0x1d: {  	_ =	swait.ge [sflag:s7], $0x80  }
.Ltmp2:
0x1e: {  	[sflag:s7] =	ssyncset.done $0x0;
	(pc) =	sbr.rel @p0 .LBB2_2-.Ltmp2, $4  }
0x1f: {  	[sflag:s7] =	ssyncadd.s32 $0xFFFFFF80  }
0x20: {  	[hbm4b:s8+s2] =	stream.linear.scatter [tilespmem:s6], [sflag:$0x2], $0x80, $0x38;
	[tilespmem:$0x88] =	vst v63  }
0x21: {  	_ =	swait.ge [sflag:s3], $0x80  }
0x22: {  	[sflag:s3] =	ssyncset.done $0x0  }
.LBB2_3:
0x23: {  	[sflag:s3] =	ssyncadd.s32 $0xFFFFFF80  }
.LBB2_4:
0x24: {  	_ =	sfence.sel $0x180000  }
0x25: {  	[bflag:$0x0] =	sbarrier.arrive $0xFFFF  }
0x26: {  	p0 =	sne.s32 s1, $0x0;
	_ =	strace $0x90000047  }
0x27: {  	s0 =	sadd.s32 @!p0 $0x100000, s0;
	[bflag:$0x2] =	sbarrier.arrive $0xFFFF  }
0x28: {  	[sflag:s0] =	ssyncadd.tile.s32 @!p0 $0x1;
	_ =	shalt  }
.Lfunc_end2:
_tile_overlayer_lowered:
.L_overlay_start_2:
0x29: {  	(tag) =	ssettag $0x2  }
0x2a: {  	s0 =	rddreg [dreg:$0x0];
	s2 =	stileid.u32  }
0x2b: {  	s1 =	rddreg [dreg:$0x1];
	p0 =	sne.s32 s2, $0x0  }
0x2c: {  	s3 =	rddreg [dreg:$0x2];
	[bflag:$0x3] =	sbarrier.arrive $0xFFFF;
	s2 =	simm.s32 @!p0 $0x1C02  }
0x2d: {  	[timem:s3], [sflag:s2] =	dma.local @!p0 [hbm:s0], s1  }
0x2e: {  	s0 =	simm.s32 @!p0 $0x2  }
0x2f: {  	_ =	swait.ge @!p0 [sflag:s0], s1  }
0x30: {  	s1 =	ssub.s32 @!p0 $0x0, s1;
	[sflag:s0] =	ssyncset.done @!p0 $0x0  }
0x31: {  	[sflag:s0] =	ssyncadd.s32 @!p0 s1  }
0x32: {  	[bflag:$0x3] =	sbarrier.arrive $0xFFFF  }
0x33: {  	_ =	shalt  }

</sc_bundles>
